<compile_context>
chip_gen: v7x
topology: tpu7x:2x2x1
jax: 0.10.2.dev20260603
libtpu: 0.0.44.dev20260713+nightly
codegen_flags: <defaults>
</compile_context>

<pallas_src>
import functools

import jax
import jax.numpy as jnp
from jax import lax
from jax.experimental import pallas as pl
from jax.experimental.pallas import tpu as pltpu
from jax.experimental.pallas import tpu_sc as plsc

N = 10000
E = 320000
D = 128
ED = 16
AW = 144
L = 16

NC, NS = 2, 16
EPB = 80
NB = E // EPB
NB_CORE = NB // NC
NB_TILE = NB_CORE // NS
RPT = N // NS



def _xa_body(x_ref, w_ref, o_ref):
    o_ref[...] = jnp.dot(x_ref[...], w_ref[...],
                         preferred_element_type=jnp.float32)


def _eb_body(a_ref, w_ref, b_ref, o_ref):
    o_ref[...] = jnp.dot(a_ref[...], w_ref[...],
                         preferred_element_type=jnp.float32) + b_ref[...]



_sc_mesh = plsc.VectorSubcoreMesh(core_axis_name="c", subcore_axis_name="s")


@functools.partial(
    pl.kernel,
    out_type=jax.ShapeDtypeStruct((NC, N, AW), jnp.float32),
    mesh=_sc_mesh,
    compiler_params=pltpu.CompilerParams(use_tc_tiling_on_sc=False),
    scratch_types=[
        pltpu.VMEM((EPB,), jnp.int32),
        pltpu.VMEM((EPB,), jnp.int32),
        pltpu.VMEM((EPB, D), jnp.float32),
        pltpu.VMEM((EPB, D), jnp.float32),
        pltpu.VMEM((EPB, AW), jnp.float32),
        pltpu.VMEM_SHARED((N, AW), jnp.float32),
        pltpu.SemaphoreType.DMA,
        pltpu.SemaphoreType.DMA,
    ],
)
def _sc_scatter(row_hbm, col_hbm, xa_hbm, eb_hbm, zeros_hbm, out_hbm,
                ridx, cidx, gbuf, mbuf, obuf, acc, sem_g, sem_m):
    c = lax.axis_index("c")
    s = lax.axis_index("s")

    pltpu.sync_copy(zeros_hbm, acc.at[pl.ds(s * RPT, RPT)])
    plsc.subcore_barrier()

    ones = jnp.ones((L,), jnp.float32)

    def batch_body(k, carry):
        b = c * NB_CORE + k * NS + s
        ebase = b * EPB
        pltpu.sync_copy(row_hbm.at[pl.ds(ebase, EPB)], ridx)
        pltpu.sync_copy(col_hbm.at[pl.ds(ebase, EPB)], cidx)
        cp_g = pltpu.async_copy(xa_hbm.at[ridx], gbuf, sem_g)
        cp_m = pltpu.async_copy(eb_hbm.at[pl.ds(ebase, EPB)], mbuf, sem_m)
        cp_g.wait()
        cp_m.wait()

        def edge_body(e, c2):
            for j in range(D // L):
                g = gbuf[e, pl.ds(j * L, L)]
                m = mbuf[e, pl.ds(j * L, L)]
                obuf[e, pl.ds(j * L, L)] = jnp.maximum(g + m, 0.0)
            obuf[e, pl.ds(D, L)] = ones
            return c2

        lax.fori_loop(0, EPB, edge_body, 0)
        pltpu.sync_copy(obuf, acc.at[cidx], add=True)
        return carry

    lax.fori_loop(0, NB_TILE, batch_body, 0)

    plsc.subcore_barrier()
    pltpu.sync_copy(acc.at[pl.ds(s * RPT, RPT)],
                    out_hbm.at[c, pl.ds(s * RPT, RPT)])



def _fin_body(acc_ref, x_ref, wa_ref, wb_ref, b_ref, o_ref):
    summed = acc_ref[0, :, :D] + acc_ref[1, :, :D]
    cnt = acc_ref[0, :, D:D + 1] + acc_ref[1, :, D:D + 1]
    mean = summed / jnp.maximum(cnt, 1.0)
    o_ref[...] = jnp.maximum(
        jnp.dot(x_ref[...], wa_ref[...], preferred_element_type=jnp.float32)
        + jnp.dot(mean, wb_ref[...], preferred_element_type=jnp.float32)
        + b_ref[...], 0.0)


def kernel(x, edge_ids, edge_attr, W1, b1, W2, b2):
    row = edge_ids[0].astype(jnp.int32)
    col = edge_ids[1].astype(jnp.int32)
    W1a, W1b = W1[:D], W1[D:]
    W2a, W2b = W2[:D], W2[D:]

    xa = pl.pallas_call(
        _xa_body,
        grid=(10,),
        in_specs=[pl.BlockSpec((N // 10, D), lambda i: (i, 0)),
                  pl.BlockSpec((D, D), lambda i: (0, 0))],
        out_specs=pl.BlockSpec((N // 10, D), lambda i: (i, 0)),
        out_shape=jax.ShapeDtypeStruct((N, D), jnp.float32),
    )(x, W1a)

    eb = pl.pallas_call(
        _eb_body,
        grid=(80,),
        in_specs=[pl.BlockSpec((E // 80, ED), lambda i: (i, 0)),
                  pl.BlockSpec((ED, D), lambda i: (0, 0)),
                  pl.BlockSpec((1, D), lambda i: (0, 0))],
        out_specs=pl.BlockSpec((E // 80, D), lambda i: (i, 0)),
        out_shape=jax.ShapeDtypeStruct((E, D), jnp.float32),
    )(edge_attr, W1b, b1.reshape(1, D))

    zeros = jnp.zeros((RPT, AW), jnp.float32)
    acc = _sc_scatter(row, col, xa, eb, zeros)

    out = pl.pallas_call(
        _fin_body,
        grid=(10,),
        in_specs=[pl.BlockSpec((NC, N // 10, AW), lambda i: (0, i, 0)),
                  pl.BlockSpec((N // 10, D), lambda i: (i, 0)),
                  pl.BlockSpec((D, D), lambda i: (0, 0)),
                  pl.BlockSpec((D, D), lambda i: (0, 0)),
                  pl.BlockSpec((1, D), lambda i: (0, 0))],
        out_specs=pl.BlockSpec((N // 10, D), lambda i: (i, 0)),
        out_shape=jax.ShapeDtypeStruct((N, D), jnp.float32),
    )(acc, x, W2a, W2b, b2.reshape(1, D))
    return out

# --- scband reference (transcript-rebuilt; emitter-appended) ---
"""Pipeline reference for scband-graph-node-26405458936406 (READ-ONLY COPY).

The authoritative reference and input builder live on the scoring server;
editing this copy changes nothing except your own understanding.
"""

import jax, jax.numpy as jnp
import numpy as np

N_NODES = 10000
N_EDGES = 320000
NODE_DIM = 128
EDGE_DIM = 16
GNN_DIM = 128


def setup_inputs(seed: int = 0) -> dict:
    key = jax.random.key(seed)
    k1, k2, k3, k4, k5, k6, k7 = jax.random.split(key, 7)
    x = jax.random.normal(k1, (N_NODES, NODE_DIM), dtype=jnp.float32)
    edge_ids = jax.random.randint(k2, (2, N_EDGES), 0, N_NODES, dtype=jnp.int64)
    edge_attr = jax.random.normal(k3, (N_EDGES, EDGE_DIM), dtype=jnp.float32)
    # fc1: Linear(node_dim + edge_dim, gnn_dim)
    fan1 = NODE_DIM + EDGE_DIM
    W1 = jax.random.uniform(k4, (fan1, GNN_DIM), dtype=jnp.float32, minval=-1.0, maxval=1.0) / jnp.sqrt(fan1)
    b1 = jax.random.uniform(k5, (GNN_DIM,), dtype=jnp.float32, minval=-1.0, maxval=1.0) / jnp.sqrt(fan1)
    # fc2: Linear(node_dim + gnn_dim, gnn_dim)
    fan2 = NODE_DIM + GNN_DIM
    W2 = jax.random.uniform(k6, (fan2, GNN_DIM), dtype=jnp.float32, minval=-1.0, maxval=1.0) / jnp.sqrt(fan2)
    b2 = jax.random.uniform(k7, (GNN_DIM,), dtype=jnp.float32, minval=-1.0, maxval=1.0) / jnp.sqrt(fan2)
    return {"x": x, "edge_ids": edge_ids, "edge_attr": edge_attr, "W1": W1, "b1": b1, "W2": W2, "b2": b2}


def reference(x, edge_ids, edge_attr, W1, b1, W2, b2):
    row = edge_ids[0]
    col = edge_ids[1]
    n = x.shape[0]
    # message: cat(x[row], edge_attr) -> fc1 -> relu
    out = jnp.concatenate([jnp.take(x, row, axis=0), edge_attr], axis=1)
    out = jax.nn.relu(out @ W1 + b1)
    # scatter_mean over destination nodes (col), dim_size = n
    summed = jax.ops.segment_sum(out, col, num_segments=n)
    counts = jax.ops.segment_sum(jnp.ones((col.shape[0],), dtype=jnp.float32), col, num_segments=n)
    mean = summed / jnp.clip(counts, 1.0)[:, None]
    # update: cat(x, mean) -> fc2 -> relu
    out = jnp.concatenate([x, mean], axis=1)
    out = jax.nn.relu(out @ W2 + b2)
    return out

if __name__ == "__main__":
    import jax
    _d = setup_inputs()
    print(jax.jit(kernel)(*tuple(_d.values())))

</pallas_src>

<mosaic_0001>
#map = affine_map<(d0, d1) -> (0)>
#map1 = affine_map<(d0, d1) -> (0, 0)>
#map2 = affine_map<(d0, d1) -> (0, 0, 0)>
module attributes {stable_mosaic.version = 14 : i64} {
  func.func @_sc_scatter(%arg0: i32, %arg1: i32, %arg2: memref<320000xi32, #tpu.memory_space<hbm>>, %arg3: memref<320000xi32, #tpu.memory_space<hbm>>, %arg4: memref<10000x128xf32, #tpu.memory_space<hbm>>, %arg5: memref<320000x128xf32, #tpu.memory_space<hbm>>, %arg6: memref<625x144xf32, #tpu.memory_space<hbm>>, %arg7: memref<2x10000x144xf32, #tpu.memory_space<hbm>>, %arg8: memref<80xi32, #tpu.memory_space<vmem>>, %arg9: memref<80xi32, #tpu.memory_space<vmem>>, %arg10: memref<80x128xf32, #tpu.memory_space<vmem>>, %arg11: memref<80x128xf32, #tpu.memory_space<vmem>>, %arg12: memref<80x144xf32, #tpu.memory_space<vmem>>, %arg13: memref<10000x144xf32, #tpu.memory_space<vmem_shared>>, %arg14: memref<!tpu.dma_semaphore, #tpu.memory_space<semaphore_mem>>, %arg15: memref<!tpu.dma_semaphore, #tpu.memory_space<semaphore_mem>>) attributes {dimension_semantics = [#tpu.dimension_semantics<core_parallel>, #tpu.dimension_semantics<subcore_parallel>], iteration_bounds = array<i64: 2, 16>, scalar_prefetch = 0 : i64, scratch_operands = 8 : i64, tpu.core_type = #tpu.core_type<sc_vector_subcore>, window_params = [{transform_indices = #map}, {transform_indices = #map}, {transform_indices = #map1}, {transform_indices = #map1}, {transform_indices = #map1}, {transform_indices = #map2}]} {
    %mul3A = arith.constant 625 : i32
    %mul3A_0 = arith.muli %arg1, %mul3A : i32
    "tpu.region"() ({
      %run_scoped3A = tpu.sem_alloc : memref<!tpu.dma_semaphore, #tpu.memory_space<semaphore_mem>>
      %dma_start3A = arith.constant 0 : i32
      %dma_start3A_12 = tpu.memref_slice %arg13[%mul3A_0, %dma_start3A] : memref<10000x144xf32, #tpu.memory_space<vmem_shared>> -> memref<625x144xf32, #tpu.memory_space<vmem_shared>>
      tpu.enqueue_dma source(%arg6 : memref<625x144xf32, #tpu.memory_space<hbm>>) target(%dma_start3A_12 : memref<625x144xf32, #tpu.memory_space<vmem_shared>>) target_semaphore(%run_scoped3A : memref<!tpu.dma_semaphore, #tpu.memory_space<semaphore_mem>>)
      %dma_wait3A = arith.constant 0 : i32
      %dma_wait3A_13 = tpu.memref_slice %arg13[%mul3A_0, %dma_wait3A] : memref<10000x144xf32, #tpu.memory_space<vmem_shared>> -> memref<625x144xf32, #tpu.memory_space<vmem_shared>>
      tpu.wait_dma2 semaphore(%run_scoped3A : memref<!tpu.dma_semaphore, #tpu.memory_space<semaphore_mem>>) src(%arg6 : memref<625x144xf32, #tpu.memory_space<hbm>>) dst(%dma_wait3A_13 : memref<625x144xf32, #tpu.memory_space<vmem_shared>>)
      tpu.yield
    }) : () -> ()
    %barrier3A = arith.constant 0 : index
    tpu.barrier barrier_id(%barrier3A)
    %broadcast_in_dim3A = arith.constant 1.000000e+00 : f32
    %broadcast_in_dim3A_1 = vector.broadcast %broadcast_in_dim3A : f32 to vector<16xf32>
    %scan3A = arith.constant 0 : i32
    %scan3A_2 = arith.constant 0 : i32
    %scan3A_3 = arith.constant 125 : i32
    %scan3A_4 = arith.addi %scan3A_2, %scan3A_3 : i32
    %scan3A_5 = arith.constant 1 : i32
    scf.for %scan3A_12 = %scan3A_2 to %scan3A_4 step %scan3A_5  : i32 {
      %mul3A_13 = arith.constant 2000 : i32
      %mul3A_14 = arith.muli %arg0, %mul3A_13 : i32
      %mul3A_15 = arith.constant 16 : i32
      %mul3A_16 = arith.muli %scan3A_12, %mul3A_15 : i32
      %add3A = arith.addi %mul3A_14, %mul3A_16 : i32
      %add3A_17 = arith.addi %add3A, %arg1 : i32
      %mul3A_18 = arith.constant 80 : i32
      %mul3A_19 = arith.muli %add3A_17, %mul3A_18 : i32
      "tpu.region"() ({
        %run_scoped3A = tpu.sem_alloc : memref<!tpu.dma_semaphore, #tpu.memory_space<semaphore_mem>>
        %dma_start3A_38 = tpu.memref_slice %arg2[%mul3A_19] : memref<320000xi32, #tpu.memory_space<hbm>> -> memref<80xi32, #tpu.memory_space<hbm>>
        %dma_start3A_39 = tpu.memref_slice %arg2[%mul3A_19] : memref<320000xi32, #tpu.memory_space<hbm>> -> memref<80xi32, #tpu.memory_space<hbm>>
        tpu.enqueue_dma source(%dma_start3A_39 : memref<80xi32, #tpu.memory_space<hbm>>) target(%arg8 : memref<80xi32, #tpu.memory_space<vmem>>) target_semaphore(%run_scoped3A : memref<!tpu.dma_semaphore, #tpu.memory_space<semaphore_mem>>)
        %dma_wait3A_40 = tpu.memref_slice %arg2[%mul3A_19] : memref<320000xi32, #tpu.memory_space<hbm>> -> memref<80xi32, #tpu.memory_space<hbm>>
        %dma_wait3A_41 = tpu.memref_slice %arg2[%mul3A_19] : memref<320000xi32, #tpu.memory_space<hbm>> -> memref<80xi32, #tpu.memory_space<hbm>>
        tpu.wait_dma2 semaphore(%run_scoped3A : memref<!tpu.dma_semaphore, #tpu.memory_space<semaphore_mem>>) src(%dma_wait3A_41 : memref<80xi32, #tpu.memory_space<hbm>>) dst(%arg8 : memref<80xi32, #tpu.memory_space<vmem>>)
        tpu.yield
      }) : () -> ()
      "tpu.region"() ({
        %run_scoped3A = tpu.sem_alloc : memref<!tpu.dma_semaphore, #tpu.memory_space<semaphore_mem>>
        %dma_start3A_38 = tpu.memref_slice %arg3[%mul3A_19] : memref<320000xi32, #tpu.memory_space<hbm>> -> memref<80xi32, #tpu.memory_space<hbm>>
        %dma_start3A_39 = tpu.memref_slice %arg3[%mul3A_19] : memref<320000xi32, #tpu.memory_space<hbm>> -> memref<80xi32, #tpu.memory_space<hbm>>
        tpu.enqueue_dma source(%dma_start3A_39 : memref<80xi32, #tpu.memory_space<hbm>>) target(%arg9 : memref<80xi32, #tpu.memory_space<vmem>>) target_semaphore(%run_scoped3A : memref<!tpu.dma_semaphore, #tpu.memory_space<semaphore_mem>>)
        %dma_wait3A_40 = tpu.memref_slice %arg3[%mul3A_19] : memref<320000xi32, #tpu.memory_space<hbm>> -> memref<80xi32, #tpu.memory_space<hbm>>
        %dma_wait3A_41 = tpu.memref_slice %arg3[%mul3A_19] : memref<320000xi32, #tpu.memory_space<hbm>> -> memref<80xi32, #tpu.memory_space<hbm>>
        tpu.wait_dma2 semaphore(%run_scoped3A : memref<!tpu.dma_semaphore, #tpu.memory_space<semaphore_mem>>) src(%dma_wait3A_41 : memref<80xi32, #tpu.memory_space<hbm>>) dst(%arg9 : memref<80xi32, #tpu.memory_space<vmem>>)
        tpu.yield
      }) : () -> ()
      %dma_start3A = arith.constant 0 : i32
      %dma_start3A_20 = arith.constant 0 : i32
      %dma_start3A_21 = tpu.memref_slice %arg4[%dma_start3A, %dma_start3A_20] : memref<10000x128xf32, #tpu.memory_space<hbm>> -> memref<10000x128xf32, #tpu.memory_space<hbm>>
      tpu.enqueue_indirect_dma source(%dma_start3A_21 : memref<10000x128xf32, #tpu.memory_space<hbm>>) target(%arg10 : memref<80x128xf32, #tpu.memory_space<vmem>>) offsets(%arg8 : memref<80xi32, #tpu.memory_space<vmem>>) semaphore(%arg14 : memref<!tpu.dma_semaphore, #tpu.memory_space<semaphore_mem>>)
      %dma_start3A_22 = arith.constant 0 : i32
      %dma_start3A_23 = tpu.memref_slice %arg5[%mul3A_19, %dma_start3A_22] : memref<320000x128xf32, #tpu.memory_space<hbm>> -> memref<80x128xf32, #tpu.memory_space<hbm>>
      %dma_start3A_24 = arith.constant 0 : i32
      %dma_start3A_25 = tpu.memref_slice %arg5[%mul3A_19, %dma_start3A_24] : memref<320000x128xf32, #tpu.memory_space<hbm>> -> memref<80x128xf32, #tpu.memory_space<hbm>>
      tpu.enqueue_dma source(%dma_start3A_25 : memref<80x128xf32, #tpu.memory_space<hbm>>) target(%arg11 : memref<80x128xf32, #tpu.memory_space<vmem>>) target_semaphore(%arg15 : memref<!tpu.dma_semaphore, #tpu.memory_space<semaphore_mem>>)
      %dma_wait3A = arith.constant 0 : i32
      %dma_wait3A_26 = arith.constant 0 : i32
      %dma_wait3A_27 = tpu.memref_slice %arg4[%dma_wait3A, %dma_wait3A_26] : memref<10000x128xf32, #tpu.memory_space<hbm>> -> memref<10000x128xf32, #tpu.memory_space<hbm>>
      tpu.wait_indirect_dma semaphore(%arg14 : memref<!tpu.dma_semaphore, #tpu.memory_space<semaphore_mem>>) src(%dma_wait3A_27 : memref<10000x128xf32, #tpu.memory_space<hbm>>) dst(%arg10 : memref<80x128xf32, #tpu.memory_space<vmem>>)
      %dma_wait3A_28 = arith.constant 0 : i32
      %dma_wait3A_29 = tpu.memref_slice %arg5[%mul3A_19, %dma_wait3A_28] : memref<320000x128xf32, #tpu.memory_space<hbm>> -> memref<80x128xf32, #tpu.memory_space<hbm>>
      %dma_wait3A_30 = arith.constant 0 : i32
      %dma_wait3A_31 = tpu.memref_slice %arg5[%mul3A_19, %dma_wait3A_30] : memref<320000x128xf32, #tpu.memory_space<hbm>> -> memref<80x128xf32, #tpu.memory_space<hbm>>
      tpu.wait_dma2 semaphore(%arg15 : memref<!tpu.dma_semaphore, #tpu.memory_space<semaphore_mem>>) src(%dma_wait3A_31 : memref<80x128xf32, #tpu.memory_space<hbm>>) dst(%arg11 : memref<80x128xf32, #tpu.memory_space<vmem>>)
      %scan3A_32 = arith.constant 0 : i32
      %scan3A_33 = arith.constant 0 : i32
      %scan3A_34 = arith.constant 80 : i32
      %scan3A_35 = arith.addi %scan3A_33, %scan3A_34 : i32
      %scan3A_36 = arith.constant 1 : i32
      scf.for %scan3A_38 = %scan3A_33 to %scan3A_35 step %scan3A_36  : i32 {
        %get3A = arith.index_cast %scan3A_38 : i32 to index
        %get3A_39 = arith.constant 0 : index
        %get3A_40 = tpu.vector_load %arg10[%get3A, %get3A_39] {strides = array<i32>} : memref<80x128xf32, #tpu.memory_space<vmem>>, vector<1x16xf32>,
        %get3A_41 = vector.shape_cast %get3A_40 : vector<1x16xf32> to vector<16xf32>
        %get3A_42 = arith.index_cast %scan3A_38 : i32 to index
        %get3A_43 = arith.constant 0 : index
        %get3A_44 = tpu.vector_load %arg11[%get3A_42, %get3A_43] {strides = array<i32>} : memref<80x128xf32, #tpu.memory_space<vmem>>, vector<1x16xf32>,
        %get3A_45 = vector.shape_cast %get3A_44 : vector<1x16xf32> to vector<16xf32>
        %add3A_46 = arith.addf %get3A_41, %get3A_45 : vector<16xf32>
        %max3A = arith.constant 0.000000e+00 : f32
        %max3A_47 = vector.broadcast %max3A : f32 to vector<16xf32>
        %max3A_48 = arith.maximumf %add3A_46, %max3A_47 : vector<16xf32>
        %swap3A = arith.index_cast %scan3A_38 : i32 to index
        %swap3A_49 = arith.constant 0 : index
        %swap3A_50 = tpu.vector_load %arg12[%swap3A, %swap3A_49] {strides = array<i32>} : memref<80x144xf32, #tpu.memory_space<vmem>>, vector<1x16xf32>,
        %swap3A_51 = vector.shape_cast %swap3A_50 : vector<1x16xf32> to vector<16xf32>
        %swap3A_52 = vector.shape_cast %max3A_48 : vector<16xf32> to vector<1x16xf32>
        tpu.vector_store %arg12[%swap3A, %swap3A_49], %swap3A_52 {strides = array<i32>} : memref<80x144xf32, #tpu.memory_space<vmem>>, vector<1x16xf32>,
        %get3A_53 = arith.index_cast %scan3A_38 : i32 to index
        %get3A_54 = arith.constant 16 : index
        %get3A_55 = tpu.vector_load %arg10[%get3A_53, %get3A_54] {strides = array<i32>} : memref<80x128xf32, #tpu.memory_space<vmem>>, vector<1x16xf32>,
        %get3A_56 = vector.shape_cast %get3A_55 : vector<1x16xf32> to vector<16xf32>
        %get3A_57 = arith.index_cast %scan3A_38 : i32 to index
        %get3A_58 = arith.constant 16 : index
        %get3A_59 = tpu.vector_load %arg11[%get3A_57, %get3A_58] {strides = array<i32>} : memref<80x128xf32, #tpu.memory_space<vmem>>, vector<1x16xf32>,
        %get3A_60 = vector.shape_cast %get3A_59 : vector<1x16xf32> to vector<16xf32>
        %add3A_61 = arith.addf %get3A_56, %get3A_60 : vector<16xf32>
        %max3A_62 = arith.constant 0.000000e+00 : f32
        %max3A_63 = vector.broadcast %max3A_62 : f32 to vector<16xf32>
        %max3A_64 = arith.maximumf %add3A_61, %max3A_63 : vector<16xf32>
        %swap3A_65 = arith.index_cast %scan3A_38 : i32 to index
        %swap3A_66 = arith.constant 16 : index
        %swap3A_67 = tpu.vector_load %arg12[%swap3A_65, %swap3A_66] {strides = array<i32>} : memref<80x144xf32, #tpu.memory_space<vmem>>, vector<1x16xf32>,
        %swap3A_68 = vector.shape_cast %swap3A_67 : vector<1x16xf32> to vector<16xf32>
        %swap3A_69 = vector.shape_cast %max3A_64 : vector<16xf32> to vector<1x16xf32>
        tpu.vector_store %arg12[%swap3A_65, %swap3A_66], %swap3A_69 {strides = array<i32>} : memref<80x144xf32, #tpu.memory_space<vmem>>, vector<1x16xf32>,
        %get3A_70 = arith.index_cast %scan3A_38 : i32 to index
        %get3A_71 = arith.constant 32 : index
        %get3A_72 = tpu.vector_load %arg10[%get3A_70, %get3A_71] {strides = array<i32>} : memref<80x128xf32, #tpu.memory_space<vmem>>, vector<1x16xf32>,
        %get3A_73 = vector.shape_cast %get3A_72 : vector<1x16xf32> to vector<16xf32>
        %get3A_74 = arith.index_cast %scan3A_38 : i32 to index
        %get3A_75 = arith.constant 32 : index
        %get3A_76 = tpu.vector_load %arg11[%get3A_74, %get3A_75] {strides = array<i32>} : memref<80x128xf32, #tpu.memory_space<vmem>>, vector<1x16xf32>,
        %get3A_77 = vector.shape_cast %get3A_76 : vector<1x16xf32> to vector<16xf32>
        %add3A_78 = arith.addf %get3A_73, %get3A_77 : vector<16xf32>
        %max3A_79 = arith.constant 0.000000e+00 : f32
        %max3A_80 = vector.broadcast %max3A_79 : f32 to vector<16xf32>
        %max3A_81 = arith.maximumf %add3A_78, %max3A_80 : vector<16xf32>
        %swap3A_82 = arith.index_cast %scan3A_38 : i32 to index
        %swap3A_83 = arith.constant 32 : index
        %swap3A_84 = tpu.vector_load %arg12[%swap3A_82, %swap3A_83] {strides = array<i32>} : memref<80x144xf32, #tpu.memory_space<vmem>>, vector<1x16xf32>,
        %swap3A_85 = vector.shape_cast %swap3A_84 : vector<1x16xf32> to vector<16xf32>
        %swap3A_86 = vector.shape_cast %max3A_81 : vector<16xf32> to vector<1x16xf32>
        tpu.vector_store %arg12[%swap3A_82, %swap3A_83], %swap3A_86 {strides = array<i32>} : memref<80x144xf32, #tpu.memory_space<vmem>>, vector<1x16xf32>,
        %get3A_87 = arith.index_cast %scan3A_38 : i32 to index
        %get3A_88 = arith.constant 48 : index
        %get3A_89 = tpu.vector_load %arg10[%get3A_87, %get3A_88] {strides = array<i32>} : memref<80x128xf32, #tpu.memory_space<vmem>>, vector<1x16xf32>,
        %get3A_90 = vector.shape_cast %get3A_89 : vector<1x16xf32> to vector<16xf32>
        %get3A_91 = arith.index_cast %scan3A_38 : i32 to index
        %get3A_92 = arith.constant 48 : index
        %get3A_93 = tpu.vector_load %arg11[%get3A_91, %get3A_92] {strides = array<i32>} : memref<80x128xf32, #tpu.memory_space<vmem>>, vector<1x16xf32>,
        %get3A_94 = vector.shape_cast %get3A_93 : vector<1x16xf32> to vector<16xf32>
        %add3A_95 = arith.addf %get3A_90, %get3A_94 : vector<16xf32>
        %max3A_96 = arith.constant 0.000000e+00 : f32
        %max3A_97 = vector.broadcast %max3A_96 : f32 to vector<16xf32>
        %max3A_98 = arith.maximumf %add3A_95, %max3A_97 : vector<16xf32>
        %swap3A_99 = arith.index_cast %scan3A_38 : i32 to index
        %swap3A_100 = arith.constant 48 : index
        %swap3A_101 = tpu.vector_load %arg12[%swap3A_99, %swap3A_100] {strides = array<i32>} : memref<80x144xf32, #tpu.memory_space<vmem>>, vector<1x16xf32>,
        %swap3A_102 = vector.shape_cast %swap3A_101 : vector<1x16xf32> to vector<16xf32>
        %swap3A_103 = vector.shape_cast %max3A_98 : vector<16xf32> to vector<1x16xf32>
        tpu.vector_store %arg12[%swap3A_99, %swap3A_100], %swap3A_103 {strides = array<i32>} : memref<80x144xf32, #tpu.memory_space<vmem>>, vector<1x16xf32>,
        %get3A_104 = arith.index_cast %scan3A_38 : i32 to index
        %get3A_105 = arith.constant 64 : index
        %get3A_106 = tpu.vector_load %arg10[%get3A_104, %get3A_105] {strides = array<i32>} : memref<80x128xf32, #tpu.memory_space<vmem>>, vector<1x16xf32>,
        %get3A_107 = vector.shape_cast %get3A_106 : vector<1x16xf32> to vector<16xf32>
        %get3A_108 = arith.index_cast %scan3A_38 : i32 to index
        %get3A_109 = arith.constant 64 : index
        %get3A_110 = tpu.vector_load %arg11[%get3A_108, %get3A_109] {strides = array<i32>} : memref<80x128xf32, #tpu.memory_space<vmem>>, vector<1x16xf32>,
        %get3A_111 = vector.shape_cast %get3A_110 : vector<1x16xf32> to vector<16xf32>
        %add3A_112 = arith.addf %get3A_107, %get3A_111 : vector<16xf32>
        %max3A_113 = arith.constant 0.000000e+00 : f32
        %max3A_114 = vector.broadcast %max3A_113 : f32 to vector<16xf32>
        %max3A_115 = arith.maximumf %add3A_112, %max3A_114 : vector<16xf32>
        %swap3A_116 = arith.index_cast %scan3A_38 : i32 to index
        %swap3A_117 = arith.constant 64 : index
        %swap3A_118 = tpu.vector_load %arg12[%swap3A_116, %swap3A_117] {strides = array<i32>} : memref<80x144xf32, #tpu.memory_space<vmem>>, vector<1x16xf32>,
        %swap3A_119 = vector.shape_cast %swap3A_118 : vector<1x16xf32> to vector<16xf32>
        %swap3A_120 = vector.shape_cast %max3A_115 : vector<16xf32> to vector<1x16xf32>
        tpu.vector_store %arg12[%swap3A_116, %swap3A_117], %swap3A_120 {strides = array<i32>} : memref<80x144xf32, #tpu.memory_space<vmem>>, vector<1x16xf32>,
        %get3A_121 = arith.index_cast %scan3A_38 : i32 to index
        %get3A_122 = arith.constant 80 : index
        %get3A_123 = tpu.vector_load %arg10[%get3A_121, %get3A_122] {strides = array<i32>} : memref<80x128xf32, #tpu.memory_space<vmem>>, vector<1x16xf32>,
        %get3A_124 = vector.shape_cast %get3A_123 : vector<1x16xf32> to vector<16xf32>
        %get3A_125 = arith.index_cast %scan3A_38 : i32 to index
        %get3A_126 = arith.constant 80 : index
        %get3A_127 = tpu.vector_load %arg11[%get3A_125, %get3A_126] {strides = array<i32>} : memref<80x128xf32, #tpu.memory_space<vmem>>, vector<1x16xf32>,
        %get3A_128 = vector.shape_cast %get3A_127 : vector<1x16xf32> to vector<16xf32>
        %add3A_129 = arith.addf %get3A_124, %get3A_128 : vector<16xf32>
        %max3A_130 = arith.constant 0.000000e+00 : f32
        %max3A_131 = vector.broadcast %max3A_130 : f32 to vector<16xf32>
        %max3A_132 = arith.maximumf %add3A_129, %max3A_131 : vector<16xf32>
        %swap3A_133 = arith.index_cast %scan3A_38 : i32 to index
        %swap3A_134 = arith.constant 80 : index
        %swap3A_135 = tpu.vector_load %arg12[%swap3A_133, %swap3A_134] {strides = array<i32>} : memref<80x144xf32, #tpu.memory_space<vmem>>, vector<1x16xf32>,
        %swap3A_136 = vector.shape_cast %swap3A_135 : vector<1x16xf32> to vector<16xf32>
        %swap3A_137 = vector.shape_cast %max3A_132 : vector<16xf32> to vector<1x16xf32>
        tpu.vector_store %arg12[%swap3A_133, %swap3A_134], %swap3A_137 {strides = array<i32>} : memref<80x144xf32, #tpu.memory_space<vmem>>, vector<1x16xf32>,
        %get3A_138 = arith.index_cast %scan3A_38 : i32 to index
        %get3A_139 = arith.constant 96 : index
        %get3A_140 = tpu.vector_load %arg10[%get3A_138, %get3A_139] {strides = array<i32>} : memref<80x128xf32, #tpu.memory_space<vmem>>, vector<1x16xf32>,
        %get3A_141 = vector.shape_cast %get3A_140 : vector<1x16xf32> to vector<16xf32>
        %get3A_142 = arith.index_cast %scan3A_38 : i32 to index
        %get3A_143 = arith.constant 96 : index
        %get3A_144 = tpu.vector_load %arg11[%get3A_142, %get3A_143] {strides = array<i32>} : memref<80x128xf32, #tpu.memory_space<vmem>>, vector<1x16xf32>,
        %get3A_145 = vector.shape_cast %get3A_144 : vector<1x16xf32> to vector<16xf32>
        %add3A_146 = arith.addf %get3A_141, %get3A_145 : vector<16xf32>
        %max3A_147 = arith.constant 0.000000e+00 : f32
        %max3A_148 = vector.broadcast %max3A_147 : f32 to vector<16xf32>
        %max3A_149 = arith.maximumf %add3A_146, %max3A_148 : vector<16xf32>
        %swap3A_150 = arith.index_cast %scan3A_38 : i32 to index
        %swap3A_151 = arith.constant 96 : index
        %swap3A_152 = tpu.vector_load %arg12[%swap3A_150, %swap3A_151] {strides = array<i32>} : memref<80x144xf32, #tpu.memory_space<vmem>>, vector<1x16xf32>,
        %swap3A_153 = vector.shape_cast %swap3A_152 : vector<1x16xf32> to vector<16xf32>
        %swap3A_154 = vector.shape_cast %max3A_149 : vector<16xf32> to vector<1x16xf32>
        tpu.vector_store %arg12[%swap3A_150, %swap3A_151], %swap3A_154 {strides = array<i32>} : memref<80x144xf32, #tpu.memory_space<vmem>>, vector<1x16xf32>,
        %get3A_155 = arith.index_cast %scan3A_38 : i32 to index
        %get3A_156 = arith.constant 112 : index
        %get3A_157 = tpu.vector_load %arg10[%get3A_155, %get3A_156] {strides = array<i32>} : memref<80x128xf32, #tpu.memory_space<vmem>>, vector<1x16xf32>,
        %get3A_158 = vector.shape_cast %get3A_157 : vector<1x16xf32> to vector<16xf32>
        %get3A_159 = arith.index_cast %scan3A_38 : i32 to index
        %get3A_160 = arith.constant 112 : index
        %get3A_161 = tpu.vector_load %arg11[%get3A_159, %get3A_160] {strides = array<i32>} : memref<80x128xf32, #tpu.memory_space<vmem>>, vector<1x16xf32>,
        %get3A_162 = vector.shape_cast %get3A_161 : vector<1x16xf32> to vector<16xf32>
        %add3A_163 = arith.addf %get3A_158, %get3A_162 : vector<16xf32>
        %max3A_164 = arith.constant 0.000000e+00 : f32
        %max3A_165 = vector.broadcast %max3A_164 : f32 to vector<16xf32>
        %max3A_166 = arith.maximumf %add3A_163, %max3A_165 : vector<16xf32>
        %swap3A_167 = arith.index_cast %scan3A_38 : i32 to index
        %swap3A_168 = arith.constant 112 : index
        %swap3A_169 = tpu.vector_load %arg12[%swap3A_167, %swap3A_168] {strides = array<i32>} : memref<80x144xf32, #tpu.memory_space<vmem>>, vector<1x16xf32>,
        %swap3A_170 = vector.shape_cast %swap3A_169 : vector<1x16xf32> to vector<16xf32>
        %swap3A_171 = vector.shape_cast %max3A_166 : vector<16xf32> to vector<1x16xf32>
        tpu.vector_store %arg12[%swap3A_167, %swap3A_168], %swap3A_171 {strides = array<i32>} : memref<80x144xf32, #tpu.memory_space<vmem>>, vector<1x16xf32>,
        %swap3A_172 = arith.index_cast %scan3A_38 : i32 to index
        %swap3A_173 = arith.constant 128 : index
        %swap3A_174 = tpu.vector_load %arg12[%swap3A_172, %swap3A_173] {strides = array<i32>} : memref<80x144xf32, #tpu.memory_space<vmem>>, vector<1x16xf32>,
        %swap3A_175 = vector.shape_cast %swap3A_174 : vector<1x16xf32> to vector<16xf32>
        %swap3A_176 = vector.shape_cast %broadcast_in_dim3A_1 : vector<16xf32> to vector<1x16xf32>
        tpu.vector_store %arg12[%swap3A_172, %swap3A_173], %swap3A_176 {strides = array<i32>} : memref<80x144xf32, #tpu.memory_space<vmem>>, vector<1x16xf32>,
      }
      %scan3A_37 = arith.constant 80 : i32
      "tpu.region"() ({
        %run_scoped3A = tpu.sem_alloc : memref<!tpu.dma_semaphore, #tpu.memory_space<semaphore_mem>>
        %dma_start3A_38 = arith.constant 0 : i32
        %dma_start3A_39 = arith.constant 0 : i32
        %dma_start3A_40 = tpu.memref_slice %arg13[%dma_start3A_38, %dma_start3A_39] : memref<10000x144xf32, #tpu.memory_space<vmem_shared>> -> memref<10000x144xf32, #tpu.memory_space<vmem_shared>>
        tpu.enqueue_indirect_dma source(%arg12 : memref<80x144xf32, #tpu.memory_space<vmem>>) target(%dma_start3A_40 : memref<10000x144xf32, #tpu.memory_space<vmem_shared>>) offsets(%arg9 : memref<80xi32, #tpu.memory_space<vmem>>) semaphore(%run_scoped3A : memref<!tpu.dma_semaphore, #tpu.memory_space<semaphore_mem>>) {add = true}
        %dma_wait3A_41 = arith.constant 0 : i32
        %dma_wait3A_42 = arith.constant 0 : i32
        %dma_wait3A_43 = tpu.memref_slice %arg13[%dma_wait3A_41, %dma_wait3A_42] : memref<10000x144xf32, #tpu.memory_space<vmem_shared>> -> memref<10000x144xf32, #tpu.memory_space<vmem_shared>>
        tpu.wait_indirect_dma semaphore(%run_scoped3A : memref<!tpu.dma_semaphore, #tpu.memory_space<semaphore_mem>>) src(%arg12 : memref<80x144xf32, #tpu.memory_space<vmem>>) dst(%dma_wait3A_43 : memref<10000x144xf32, #tpu.memory_space<vmem_shared>>)
        tpu.yield
      }) : () -> ()
    }
    %scan3A_6 = arith.constant 125 : i32
    %barrier3A_7 = arith.constant 0 : index
    tpu.barrier barrier_id(%barrier3A_7)
    %mul3A_8 = arith.constant 625 : i32
    %mul3A_9 = arith.muli %arg1, %mul3A_8 : i32
    %mul3A_10 = arith.constant 625 : i32
    %mul3A_11 = arith.muli %arg1, %mul3A_10 : i32
    "tpu.region"() ({
      %run_scoped3A = tpu.sem_alloc : memref<!tpu.dma_semaphore, #tpu.memory_space<semaphore_mem>>
      %dma_start3A = arith.constant 0 : i32
      %dma_start3A_12 = tpu.memref_slice %arg7[%arg0, %mul3A_11, %dma_start3A] : memref<2x10000x144xf32, #tpu.memory_space<hbm>> -> memref<1x625x144xf32, #tpu.memory_space<hbm>>
      %dma_start3A_13 = tpu.memref_squeeze %dma_start3A_12 : memref<1x625x144xf32, #tpu.memory_space<hbm>> -> memref<625x144xf32, #tpu.memory_space<hbm>>
      %dma_start3A_14 = arith.constant 0 : i32
      %dma_start3A_15 = tpu.memref_slice %arg13[%mul3A_9, %dma_start3A_14] : memref<10000x144xf32, #tpu.memory_space<vmem_shared>> -> memref<625x144xf32, #tpu.memory_space<vmem_shared>>
      tpu.enqueue_dma source(%dma_start3A_15 : memref<625x144xf32, #tpu.memory_space<vmem_shared>>) target(%dma_start3A_13 : memref<625x144xf32, #tpu.memory_space<hbm>>) target_semaphore(%run_scoped3A : memref<!tpu.dma_semaphore, #tpu.memory_space<semaphore_mem>>)
      %dma_wait3A = arith.constant 0 : i32
      %dma_wait3A_16 = tpu.memref_slice %arg7[%arg0, %mul3A_11, %dma_wait3A] : memref<2x10000x144xf32, #tpu.memory_space<hbm>> -> memref<1x625x144xf32, #tpu.memory_space<hbm>>
      %dma_wait3A_17 = tpu.memref_squeeze %dma_wait3A_16 : memref<1x625x144xf32, #tpu.memory_space<hbm>> -> memref<625x144xf32, #tpu.memory_space<hbm>>
      %dma_wait3A_18 = arith.constant 0 : i32
      %dma_wait3A_19 = tpu.memref_slice %arg13[%mul3A_9, %dma_wait3A_18] : memref<10000x144xf32, #tpu.memory_space<vmem_shared>> -> memref<625x144xf32, #tpu.memory_space<vmem_shared>>
      tpu.wait_dma2 semaphore(%run_scoped3A : memref<!tpu.dma_semaphore, #tpu.memory_space<semaphore_mem>>) src(%dma_wait3A_19 : memref<625x144xf32, #tpu.memory_space<vmem_shared>>) dst(%dma_wait3A_17 : memref<625x144xf32, #tpu.memory_space<hbm>>)
      tpu.yield
    }) : () -> ()
    return
  }
}

module attributes {stable_mosaic.version = 14 : i64} {
  func.func @_eb_body(%arg0: i32, %arg1: memref<4000x16xf32, #tpu.memory_space<vmem>>, %arg2: memref<16x128xf32, #tpu.memory_space<vmem>>, %arg3: memref<1x128xf32, #tpu.memory_space<vmem>>, %arg4: memref<4000x128xf32, #tpu.memory_space<vmem>>) attributes {dimension_semantics = [#tpu.dimension_semantics<arbitrary>], iteration_bounds = array<i64: 80>, scalar_prefetch = 0 : i64, scratch_operands = 0 : i64, tpu.core_type = #tpu.core_type<tc>, window_params = [{transform_indices = @transform_0, window_bounds = array<i64: 4000, 16>}, {pipeline_mode = #tpu.pipeline_mode<synchronous>, transform_indices = @transform_1, window_bounds = array<i64: 16, 128>}, {pipeline_mode = #tpu.pipeline_mode<synchronous>, transform_indices = @transform_2, window_bounds = array<i64: 1, 128>}, {transform_indices = @transform_3, window_bounds = array<i64: 4000, 128>}]} {
    %get3A = arith.constant 0 : index
    %get3A_0 = arith.constant 0 : index
    %get3A_1 = vector.load %arg1[%get3A, %get3A_0] : memref<4000x16xf32, #tpu.memory_space<vmem>>, vector<4000x16xf32>
    %get3A_2 = arith.constant 0 : index
    %get3A_3 = arith.constant 0 : index
    %get3A_4 = vector.load %arg2[%get3A_2, %get3A_3] : memref<16x128xf32, #tpu.memory_space<vmem>>, vector<16x128xf32>
    %dot_general3A = arith.constant dense<0.000000e+00> : vector<4000x128xf32>
    %dot_general3A_5 = tpu.matmul %get3A_1, %get3A_4, %dot_general3A {dimension_numbers = #tpu.dot_dimension_numbers<[1], [0], [0], [1], [0, 0, 1, 1], [], []>, transpose_lhs_hint = false} : vector<4000x16xf32>, vector<16x128xf32>, vector<4000x128xf32> -> vector<4000x128xf32>
    %get3A_6 = arith.constant 0 : index
    %get3A_7 = arith.constant 0 : index
    %get3A_8 = vector.load %arg3[%get3A_6, %get3A_7] : memref<1x128xf32, #tpu.memory_space<vmem>>, vector<1x128xf32>
    %add3A = vector.broadcast %get3A_8 : vector<1x128xf32> to vector<4000x128xf32>
    %add3A_9 = arith.addf %dot_general3A_5, %add3A : vector<4000x128xf32>
    %swap3A = arith.constant 0 : index
    %swap3A_10 = arith.constant 0 : index
    %swap3A_11 = vector.load %arg4[%swap3A, %swap3A_10] : memref<4000x128xf32, #tpu.memory_space<vmem>>, vector<4000x128xf32>
    tpu.vector_store %arg4[%swap3A, %swap3A_10], %add3A_9 {strides = array<i32>} : memref<4000x128xf32, #tpu.memory_space<vmem>>, vector<4000x128xf32>,
    return
  }
  func.func @transform_0(%arg0: i32) -> (i32, i32) {
    %c0_i32 = arith.constant 0 : i32
    %c0_i32_0 = arith.constant 0 : i32
    return %arg0, %c0_i32 : i32, i32
  }
  func.func @transform_1(%arg0: i32) -> (i32, i32) {
    %c0_i32 = arith.constant 0 : i32
    %c0_i32_0 = arith.constant 0 : i32
    %c0_i32_1 = arith.constant 0 : i32
    return %c0_i32, %c0_i32_0 : i32, i32
  }
  func.func @transform_2(%arg0: i32) -> (i32, i32) {
    %c0_i32 = arith.constant 0 : i32
    %c0_i32_0 = arith.constant 0 : i32
    %c0_i32_1 = arith.constant 0 : i32
    return %c0_i32, %c0_i32_0 : i32, i32
  }
  func.func @transform_3(%arg0: i32) -> (i32, i32) {
    %c0_i32 = arith.constant 0 : i32
    %c0_i32_0 = arith.constant 0 : i32
    return %arg0, %c0_i32 : i32, i32
  }
}

module attributes {stable_mosaic.version = 14 : i64} {
  func.func @_xa_body(%arg0: i32, %arg1: memref<1000x128xf32, #tpu.memory_space<vmem>>, %arg2: memref<128x128xf32, #tpu.memory_space<vmem>>, %arg3: memref<1000x128xf32, #tpu.memory_space<vmem>>) attributes {dimension_semantics = [#tpu.dimension_semantics<arbitrary>], iteration_bounds = array<i64: 10>, scalar_prefetch = 0 : i64, scratch_operands = 0 : i64, tpu.core_type = #tpu.core_type<tc>, window_params = [{transform_indices = @transform_0, window_bounds = array<i64: 1000, 128>}, {pipeline_mode = #tpu.pipeline_mode<synchronous>, transform_indices = @transform_1, window_bounds = array<i64: 128, 128>}, {transform_indices = @transform_2, window_bounds = array<i64: 1000, 128>}]} {
    %get3A = arith.constant 0 : index
    %get3A_0 = arith.constant 0 : index
    %get3A_1 = vector.load %arg1[%get3A, %get3A_0] : memref<1000x128xf32, #tpu.memory_space<vmem>>, vector<1000x128xf32>
    %get3A_2 = arith.constant 0 : index
    %get3A_3 = arith.constant 0 : index
    %get3A_4 = vector.load %arg2[%get3A_2, %get3A_3] : memref<128x128xf32, #tpu.memory_space<vmem>>, vector<128x128xf32>
    %dot_general3A = arith.constant dense<0.000000e+00> : vector<1000x128xf32>
    %dot_general3A_5 = tpu.matmul %get3A_1, %get3A_4, %dot_general3A {dimension_numbers = #tpu.dot_dimension_numbers<[1], [0], [0], [1], [0, 0, 1, 1], [], []>, transpose_lhs_hint = false} : vector<1000x128xf32>, vector<128x128xf32>, vector<1000x128xf32> -> vector<1000x128xf32>
    %swap3A = arith.constant 0 : index
    %swap3A_6 = arith.constant 0 : index
    %swap3A_7 = vector.load %arg3[%swap3A, %swap3A_6] : memref<1000x128xf32, #tpu.memory_space<vmem>>, vector<1000x128xf32>
    tpu.vector_store %arg3[%swap3A, %swap3A_6], %dot_general3A_5 {strides = array<i32>} : memref<1000x128xf32, #tpu.memory_space<vmem>>, vector<1000x128xf32>,
    return
  }
  func.func @transform_0(%arg0: i32) -> (i32, i32) {
    %c0_i32 = arith.constant 0 : i32
    %c0_i32_0 = arith.constant 0 : i32
    return %arg0, %c0_i32 : i32, i32
  }
  func.func @transform_1(%arg0: i32) -> (i32, i32) {
    %c0_i32 = arith.constant 0 : i32
    %c0_i32_0 = arith.constant 0 : i32
    %c0_i32_1 = arith.constant 0 : i32
    return %c0_i32, %c0_i32_0 : i32, i32
  }
  func.func @transform_2(%arg0: i32) -> (i32, i32) {
    %c0_i32 = arith.constant 0 : i32
    %c0_i32_0 = arith.constant 0 : i32
    return %arg0, %c0_i32 : i32, i32
  }
}

module attributes {stable_mosaic.version = 14 : i64} {
  func.func @_fin_body(%arg0: i32, %arg1: memref<2x1000x144xf32, #tpu.memory_space<vmem>>, %arg2: memref<1000x128xf32, #tpu.memory_space<vmem>>, %arg3: memref<128x128xf32, #tpu.memory_space<vmem>>, %arg4: memref<128x128xf32, #tpu.memory_space<vmem>>, %arg5: memref<1x128xf32, #tpu.memory_space<vmem>>, %arg6: memref<1000x128xf32, #tpu.memory_space<vmem>>) attributes {dimension_semantics = [#tpu.dimension_semantics<arbitrary>], iteration_bounds = array<i64: 10>, scalar_prefetch = 0 : i64, scratch_operands = 0 : i64, tpu.core_type = #tpu.core_type<tc>, window_params = [{transform_indices = @transform_0, window_bounds = array<i64: 2, 1000, 144>}, {transform_indices = @transform_1, window_bounds = array<i64: 1000, 128>}, {pipeline_mode = #tpu.pipeline_mode<synchronous>, transform_indices = @transform_2, window_bounds = array<i64: 128, 128>}, {pipeline_mode = #tpu.pipeline_mode<synchronous>, transform_indices = @transform_3, window_bounds = array<i64: 128, 128>}, {pipeline_mode = #tpu.pipeline_mode<synchronous>, transform_indices = @transform_4, window_bounds = array<i64: 1, 128>}, {transform_indices = @transform_5, window_bounds = array<i64: 1000, 128>}]} {
    %get3A = arith.constant 0 : index
    %get3A_0 = arith.constant 0 : index
    %get3A_1 = arith.constant 0 : index
    %get3A_2 = vector.load %arg1[%get3A, %get3A_0, %get3A_1] : memref<2x1000x144xf32, #tpu.memory_space<vmem>>, vector<1x1000x128xf32>
    %get3A_3 = vector.shape_cast %get3A_2 : vector<1x1000x128xf32> to vector<1000x128xf32>
    %get3A_4 = arith.constant 1 : index
    %get3A_5 = arith.constant 0 : index
    %get3A_6 = arith.constant 0 : index
    %get3A_7 = vector.load %arg1[%get3A_4, %get3A_5, %get3A_6] : memref<2x1000x144xf32, #tpu.memory_space<vmem>>, vector<1x1000x128xf32>
    %get3A_8 = vector.shape_cast %get3A_7 : vector<1x1000x128xf32> to vector<1000x128xf32>
    %add3A = arith.addf %get3A_3, %get3A_8 : vector<1000x128xf32>
    %get3A_9 = arith.constant 0 : index
    %get3A_10 = arith.constant 0 : index
    %get3A_11 = arith.constant 128 : index
    %get3A_12 = vector.load %arg1[%get3A_9, %get3A_10, %get3A_11] : memref<2x1000x144xf32, #tpu.memory_space<vmem>>, vector<1x1000x1xf32>
    %get3A_13 = vector.shape_cast %get3A_12 : vector<1x1000x1xf32> to vector<1000x1xf32>
    %get3A_14 = arith.constant 1 : index
    %get3A_15 = arith.constant 0 : index
    %get3A_16 = arith.constant 128 : index
    %get3A_17 = vector.load %arg1[%get3A_14, %get3A_15, %get3A_16] : memref<2x1000x144xf32, #tpu.memory_space<vmem>>, vector<1x1000x1xf32>
    %get3A_18 = vector.shape_cast %get3A_17 : vector<1x1000x1xf32> to vector<1000x1xf32>
    %add3A_19 = arith.addf %get3A_13, %get3A_18 : vector<1000x1xf32>
    %max3A = arith.constant 1.000000e+00 : f32
    %max3A_20 = vector.broadcast %max3A : f32 to vector<1000x1xf32>
    %max3A_21 = arith.maximumf %add3A_19, %max3A_20 : vector<1000x1xf32>
    %div3A = vector.broadcast %max3A_21 : vector<1000x1xf32> to vector<1000x128xf32>
    %div3A_22 = arith.divf %add3A, %div3A : vector<1000x128xf32>
    %get3A_23 = arith.constant 0 : index
    %get3A_24 = arith.constant 0 : index
    %get3A_25 = vector.load %arg2[%get3A_23, %get3A_24] : memref<1000x128xf32, #tpu.memory_space<vmem>>, vector<1000x128xf32>
    %get3A_26 = arith.constant 0 : index
    %get3A_27 = arith.constant 0 : index
    %get3A_28 = vector.load %arg3[%get3A_26, %get3A_27] : memref<128x128xf32, #tpu.memory_space<vmem>>, vector<128x128xf32>
    %dot_general3A = arith.constant dense<0.000000e+00> : vector<1000x128xf32>
    %dot_general3A_29 = tpu.matmul %get3A_25, %get3A_28, %dot_general3A {dimension_numbers = #tpu.dot_dimension_numbers<[1], [0], [0], [1], [0, 0, 1, 1], [], []>, transpose_lhs_hint = false} : vector<1000x128xf32>, vector<128x128xf32>, vector<1000x128xf32> -> vector<1000x128xf32>
    %get3A_30 = arith.constant 0 : index
    %get3A_31 = arith.constant 0 : index
    %get3A_32 = vector.load %arg4[%get3A_30, %get3A_31] : memref<128x128xf32, #tpu.memory_space<vmem>>, vector<128x128xf32>
    %dot_general3A_33 = arith.constant dense<0.000000e+00> : vector<1000x128xf32>
    %dot_general3A_34 = tpu.matmul %div3A_22, %get3A_32, %dot_general3A_33 {dimension_numbers = #tpu.dot_dimension_numbers<[1], [0], [0], [1], [0, 0, 1, 1], [], []>, transpose_lhs_hint = false} : vector<1000x128xf32>, vector<128x128xf32>, vector<1000x128xf32> -> vector<1000x128xf32>
    %add3A_35 = arith.addf %dot_general3A_29, %dot_general3A_34 : vector<1000x128xf32>
    %get3A_36 = arith.constant 0 : index
    %get3A_37 = arith.constant 0 : index
    %get3A_38 = vector.load %arg5[%get3A_36, %get3A_37] : memref<1x128xf32, #tpu.memory_space<vmem>>, vector<1x128xf32>
    %add3A_39 = vector.broadcast %get3A_38 : vector<1x128xf32> to vector<1000x128xf32>
    %add3A_40 = arith.addf %add3A_35, %add3A_39 : vector<1000x128xf32>
    %max3A_41 = arith.constant 0.000000e+00 : f32
    %max3A_42 = vector.broadcast %max3A_41 : f32 to vector<1000x128xf32>
    %max3A_43 = arith.maximumf %add3A_40, %max3A_42 : vector<1000x128xf32>
    %swap3A = arith.constant 0 : index
    %swap3A_44 = arith.constant 0 : index
    %swap3A_45 = vector.load %arg6[%swap3A, %swap3A_44] : memref<1000x128xf32, #tpu.memory_space<vmem>>, vector<1000x128xf32>
    tpu.vector_store %arg6[%swap3A, %swap3A_44], %max3A_43 {strides = array<i32>} : memref<1000x128xf32, #tpu.memory_space<vmem>>, vector<1000x128xf32>,
    return
  }
  func.func @transform_0(%arg0: i32) -> (i32, i32, i32) {
    %c0_i32 = arith.constant 0 : i32
    %c0_i32_0 = arith.constant 0 : i32
    %c0_i32_1 = arith.constant 0 : i32
    return %c0_i32, %arg0, %c0_i32_0 : i32, i32, i32
  }
  func.func @transform_1(%arg0: i32) -> (i32, i32) {
    %c0_i32 = arith.constant 0 : i32
    %c0_i32_0 = arith.constant 0 : i32
    return %arg0, %c0_i32 : i32, i32
  }
  func.func @transform_2(%arg0: i32) -> (i32, i32) {
    %c0_i32 = arith.constant 0 : i32
    %c0_i32_0 = arith.constant 0 : i32
    %c0_i32_1 = arith.constant 0 : i32
    return %c0_i32, %c0_i32_0 : i32, i32
  }
  func.func @transform_3(%arg0: i32) -> (i32, i32) {
    %c0_i32 = arith.constant 0 : i32
    %c0_i32_0 = arith.constant 0 : i32
    %c0_i32_1 = arith.constant 0 : i32
    return %c0_i32, %c0_i32_0 : i32, i32
  }
  func.func @transform_4(%arg0: i32) -> (i32, i32) {
    %c0_i32 = arith.constant 0 : i32
    %c0_i32_0 = arith.constant 0 : i32
    %c0_i32_1 = arith.constant 0 : i32
    return %c0_i32, %c0_i32_0 : i32, i32
  }
  func.func @transform_5(%arg0: i32) -> (i32, i32) {
    %c0_i32 = arith.constant 0 : i32
    %c0_i32_0 = arith.constant 0 : i32
    return %arg0, %c0_i32 : i32, i32
  }
}

</mosaic_0001>

<sc_bundles>
// kernel: kernel.6.cloned.1.call-start
scs
__scs_entry_jumppad:
0x0: {  	(pc) =	sbr.rel $0x88, $3  }
0x1: {  	(tag) =	ssettag $0x0;
	lr =	simm.s32 $0x1  }
0x2: {  	[smem:$0x3F9A] =	sst lr;
	_ =	strace $0xD0000000  }
0x3: {  	_ = 	snop  }
0x4: {  	_ = 	snop  }
0x5: {  	_ = 	snop  }
0x6: {  	_ = 	snop  }
0x7: {  	_ = 	snop  }
__scs_overlays_trampoline_lowered:
0x8: {  	[smem:$0x3FA9] =	sst s0  }
0x9: {  	[smem:$0x3FAA] =	sst s1  }
0xa: {  	[smem:$0x3FAB] =	sst s2  }
0xb: {  	[smem:$0x3FAC] =	sst s3  }
0xc: {  	[smem:$0x3FAD] =	sst s4  }
0xd: {  	[smem:$0x3FAE] =	sst s5  }
0xe: {  	[smem:$0x3FAF] =	sst s6  }
0xf: {  	[smem:$0x3FB0] =	sst s7  }
0x10: {  	[smem:$0x3FB1] =	sst s8  }
0x11: {  	[smem:$0x3FB2] =	sst s9;
	s0 =	simm.s32 @!p0 $0x0  }
0x12: {  	s1 =	sld [smem:$0x3F98];
	s0 =	simm.s32 @p0 $0x1  }
0x13: {  	[smem:$0x3FB3] =	sst s0;
	s0 =	simm.s32 @!p1 $0x0  }
0x14: {  	s2 =	sld [smem:$0x3F97];
	s0 =	simm.s32 @p1 $0x1  }
0x15: {  	[smem:$0x3FB4] =	sst s0;
	s0 =	simm.s32 @!p2 $0x0  }
0x16: {  	s3 =	sld [smem:$0x3FDB];
	s0 =	simm.s32 @p2 $0x1  }
0x17: {  	s4 =	simm.s32 $0x1BF5;
	[smem:$0x3FB6] =	sst s0  }
0x18: {  	s0 =	sld [smem:$0x3F99];
	_ =	swait.ge [sflag:s4], $0x0  }
0x19: {  	s7 =	sld [smem:$0x3F9A]  }
0x1a: {  	s8 =	sadd.s32 $0xFFFFE003, lr  }
0x1b: {  	s9 =	sadd.s32 $0xFFFFFEF7, lr;
	s5 =	simm.s32 $0xFFFFFFFF;
	p2 =	slt.u32 s8, $0xFFFFF086  }
0x1c: {  	p1 =	slt.u32 s9, $0xF7A;
	s5 =	simm.s32 @!p2 $0x0  }
0x1d: {  	s5 =	simm.s32 @p1 $0x1;
	p0 =	seq.s32 s7, s2  }
0x1e: {  	s7 =	smul.u32 @!p0 $0xF7A, s2;
	p2 =	seq.s32 @!p0 s5, $0x0  }
0x1f: {  	s9 =	smul.u32 $0xF7A, s1;
	s8 =	simm.s32 @!p0 $0x1BF5;
	p2 =	por !p2, p0  }
0x20: {  	[sflag:s8] =	ssyncset.s32 @!p0 $0xFFFFF086;
	s6 =	sadd.s32 @!p0 s3, s7;
	s7 =	simm.s32 @!p0 $0x108  }
0x21: {  	s3 =	sadd.s32 s3, s9;
	s6 =	sadd.s32 @!p0 $0x88, s6;
	s7 =	simm.s32 @p2 $0x1082  }
0x22: {  	[simem:s7], [sflag:s8] =	dma.local @!p0 [hbm:s6], $0xF7A  }
0x23: {  	s9 =	sor.u32 $0xD0000000, s2;
	s6 =	simm.s32 $0x108;
	_ =	swait.ge @!p0 [sflag:s8], $0x0  }
0x24: {  	s3 =	sadd.s32 $0x88, s3;
	s6 =	simm.s32 @!p1 $0x1082;
	[sflag:s4] =	ssyncset.s32 $0xFFFFF086  }
0x25: {  	[simem:s6], [sflag:s4] =	dma.local [hbm:s3], $0xF7A  }
0x26: {  	[smem:$0x3F9A] =	sst s1;
	(tag) =	ssettag s2;
	_ =	strace s9  }
0x27: {  	s1 =	sld [smem:$0x3FAA]  }
0x28: {  	s2 =	sld [smem:$0x3FAB]  }
0x29: {  	s4 =	sld [smem:$0x3FAD]  }
0x2a: {  	p0 =	seq.s32 s5, $0x0;
	s5 =	sld [smem:$0x3FAE]  }
0x2b: {  	s6 =	sld [smem:$0x3FAF]  }
0x2c: {  	s7 =	sld [smem:$0x3FB0]  }
0x2d: {  	s3 =	simm.s32 $0x108;
	s8 =	sld [smem:$0x3FB1]  }
0x2e: {  	s3 =	simm.s32 @!p0 $0x1082;
	s9 =	sld [smem:$0x3FB2]  }
0x2f: {  	lr =	sadd.s32 s0, s3;
	s0 =	sld [smem:$0x3FA9]  }
0x30: {  	s3 =	sld [smem:$0x3FAC]  }
0x31: {  	[smem:$0x3FB5] =	sst s10  }
0x32: {  	s10 =	sld [smem:$0x3FB3];
	_ =	sdelay $0x3  }
0x33: {  	p0 =	seq.s32 s10, $0x1;
	s10 =	sld [smem:$0x3FB5];
	_ =	sdelay $0x3  }
0x34: {  	[smem:$0x3FB5] =	sst s10  }
0x35: {  	s10 =	sld [smem:$0x3FB4];
	_ =	sdelay $0x3  }
0x36: {  	p1 =	seq.s32 s10, $0x1;
	s10 =	sld [smem:$0x3FB5];
	_ =	sdelay $0x3  }
0x37: {  	[smem:$0x3FB5] =	sst s10  }
0x38: {  	s10 =	sld [smem:$0x3FB6]  }
0x39: {  	_ = 	snop;
	(pc) =	sbr.ind lr, $3  }
0x3a: {  	_ = 	snop  }
0x3b: {  	_ = 	snop  }
0x3c: {  	p2 =	seq.s32 s10, $0x1;
	s10 =	sld [smem:$0x3FB5]  }
0x3d: {  	_ =	shalt  }
0x3e: {  	_ =	shalt  }
0x3f: {  	_ =	shalt  }
0x40: {  	_ =	shalt  }
0x41: {  	_ =	shalt  }
0x42: {  	_ =	shalt  }
0x43: {  	_ =	shalt  }
0x44: {  	_ =	shalt  }
0x45: {  	_ =	shalt  }
0x46: {  	_ =	shalt  }
0x47: {  	_ =	shalt  }
0x48: {  	_ =	shalt  }
0x49: {  	_ =	shalt  }
0x4a: {  	_ =	shalt  }
0x4b: {  	_ =	shalt  }
0x4c: {  	_ =	shalt  }
0x4d: {  	_ =	shalt  }
0x4e: {  	_ =	shalt  }
0x4f: {  	_ =	shalt  }
0x50: {  	_ =	shalt  }
0x51: {  	_ =	shalt  }
0x52: {  	_ =	shalt  }
0x53: {  	_ =	shalt  }
0x54: {  	_ =	shalt  }
0x55: {  	_ =	shalt  }
0x56: {  	_ =	shalt  }
0x57: {  	_ =	shalt  }
0x58: {  	_ =	shalt  }
0x59: {  	_ =	shalt  }
0x5a: {  	_ =	shalt  }
0x5b: {  	_ =	shalt  }
0x5c: {  	_ =	shalt  }
0x5d: {  	_ =	shalt  }
0x5e: {  	_ =	shalt  }
0x5f: {  	_ =	shalt  }
0x60: {  	_ =	shalt  }
0x61: {  	_ =	shalt  }
0x62: {  	_ =	shalt  }
0x63: {  	_ =	shalt  }
0x64: {  	_ =	shalt  }
0x65: {  	_ =	shalt  }
0x66: {  	_ =	shalt  }
0x67: {  	_ =	shalt  }
0x68: {  	_ =	shalt  }
0x69: {  	_ =	shalt  }
0x6a: {  	_ =	shalt  }
0x6b: {  	_ =	shalt  }
0x6c: {  	_ =	shalt  }
0x6d: {  	_ =	shalt  }
0x6e: {  	_ =	shalt  }
0x6f: {  	_ =	shalt  }
0x70: {  	_ =	shalt  }
0x71: {  	_ =	shalt  }
0x72: {  	_ =	shalt  }
0x73: {  	_ =	shalt  }
0x74: {  	_ =	shalt  }
0x75: {  	_ =	shalt  }
0x76: {  	_ =	shalt  }
0x77: {  	_ =	shalt  }
0x78: {  	_ =	shalt  }
0x79: {  	_ =	shalt  }
0x7a: {  	_ =	shalt  }
0x7b: {  	_ =	shalt  }
0x7c: {  	_ =	shalt  }
0x7d: {  	_ =	shalt  }
0x7e: {  	_ =	shalt  }
0x7f: {  	_ =	shalt  }
0x80: {  	_ =	shalt  }
0x81: {  	_ =	shalt  }
0x82: {  	_ =	shalt  }
0x83: {  	_ =	shalt  }
0x84: {  	_ =	shalt  }
0x85: {  	_ =	shalt  }
0x86: {  	_ =	shalt  }
0x87: {  	_ =	shalt  }
.Lfunc_end0:
.L_simem_size_0:
called_computation_lowered:
.L_overlay_start_0:
0x88: {  	s2 =	sld [smem:$0x3FD9]  }
0x89: {  	s3 =	sld [smem:$0x3FFE];
	_ =	sdelay $0x1  }
0x8a: {  	s1 =	srdreg.scid  }
0x8b: {  	s0 =	sand.u32 $0x1, s1  }
0x8c: {  	s17 =	sshll.u32 s0, $0xA;
	s2 =	sadd.s32 s3, s2  }
0x8d: {  	s2 =	sadd.s32 s2, s17  }
0x8e: {  	[smem:$0x3FC1] =	sst s2  }
0x8f: {  	_ = 	snop  }
0x90: {  	s2 =	sld [smem:$0x3FD0];
	(tm) =	ssettm $0x1  }
0x91: {  	s18 =	sld [smem:$0x3FFB];
	_ =	sdelay $0x3  }
0x92: {  	_ =	strace s18  }
0x93: {  	s3 =	sld [smem:$0x3FFC];
	_ =	sdelay $0x3  }
0x94: {  	_ =	strace s3  }
0x95: {  	s3 =	sld [smem:$0x3FFD];
	_ =	sdelay $0x3  }
0x96: {  	_ =	strace s3  }
0x97: {  	_ =	strace $0x8FFFFFFF  }
0x98: {  	s19 =	sld [smem:$0x3FDB];
	_ =	sdelay $0x1  }
0x99: {  	s4 =	simm.s32 $_scs_section_size  }
0x9a: {  	s5 =	simm.s32 $_size__tile_overlayer_lowered;
	s6 =	simm.s32 $_tile_overlayer_lowered  }
0x9b: {  	s22 =	simm.s32 $0x1BFF;
	s21 =	sshll.u32 s6, $0x1;
	s3 =	sadd.s32 s4, s19  }
0x9c: {  	s7 =	simm.s32 $0x0;
	s20 =	sshll.u32 s5, $0x1;
	s5 =	sadd.s32 s21, s3  }
0x9d: {  	[timem:s7], [sflag:s22] =	dma.local [hbm:s5], s20  }
0x9e: {  	_ =	swait.ge [sflag:s22], s20  }
0x9f: {  	s4 =	ssub.s32 $0x0, s20;
	[sflag:s22] =	ssyncset.done $0x0  }
0xa0: {  	[sflag:s22] =	ssyncadd.s32 s4;
	_ =	sdelay $0x1  }
0xa1: {  	s23 =	simm.s32 $0x1B8B  }
0xa2: {  	_ =	swait.ge [sflag:s23], $0x1  }
0xa3: {  	[sflag:s23] =	ssyncset.done $0x0  }
0xa4: {  	s25 =	simm.s32 $0x1B8E;
	s24 =	sld [smem:$0x3FFE];
	[sflag:s23] =	ssyncadd.s32 $0xFFFFFFFF  }
0xa5: {  	s26 =	simm.s32 $execute0_lowered;
	[smem:$0x3FD2] =	sst s25  }
0xa6: {  	s5 =	sshll.u32 s26, $0x1;
	_ =	strace $0x80000046;
	[dreg:$0x1] =	wrdreg $0xFFFFFFFF  }
0xa7: {  	s28 =	simm.s32 $_size_execute0_lowered;
	s3 =	sadd.s32 s3, s5;
	[dreg:$0x0] =	wrdreg $0x0  }
0xa8: {  	s5 =	sshll.u32 s28, $0x1;
	[dreg:$0x2] =	wrdreg s3  }
0xa9: {  	[dreg:$0x3] =	wrdreg s5  }
0xaa: {  	[dreg:$0x4] =	wrdreg $0xC0  }
0xab: {  	_ =	task [dreg:s7], $0x5FFFF  }
0xac: {  	[dreg:$0x1] =	wrdreg $0xFFFFFFFF  }
0xad: {  	[dreg:$0x0] =	wrdreg $0x60  }
0xae: {  	[dreg:$0x2] =	wrdreg s24  }
0xaf: {  	[dreg:$0x3] =	wrdreg s2  }
0xb0: {  	[dreg:$0x4] =	wrdreg $0x7DA00  }
0xb1: {  	[dreg:$0x5] =	wrdreg $0x9  }
0xb2: {  	_ =	task.clear_ibuf [dreg:s7], $0x6FFFF;
	_ =	strace $0x90000046  }
0xb3: {  	s29 =	simm.s32 $0x9;
	_ =	strace $0x80000048  }
0xb4: {  	_ =	swait.ge [sflag:s29], $0x1  }
0xb5: {  	[sflag:s29] =	ssyncadd.s32 $0xFFFFFFFF  }
0xb6: {  	_ =	strace $0x90000048  }
0xb7: {  	_ =	sfence  }
0xb8: {  	s30 =	sld [smem:$0x0];
	_ =	sdelay $0x2  }
0xb9: {  	s31 =	sshll.u32 s1, $0xD;
	s1 =	sshrl.u32 s1, $0x2  }
0xba: {  	s3 =	sand.u32 $0x4000, s31;
	s1 =	sadd.s32 s1, s30  }
0xbb: {  	s0 =	sor.u32 s3, s0;
	s1 =	sshll.u32 s1, $0x11  }
0xbc: {  	s0 =	sor.u32 s1, s0  }
0xbd: {  	s0 =	sadd.s32 $0x8F2B, s0  }
0xbe: {  	[sflag:s0] =	ssyncadd.remote.s32 $0x1  }
0xbf: {  	_ =	sfence.sel $0xFFFF  }
0xc0: {  	[dreg:$0x0] =	wrdreg $0xFFFFFFFF;
	(pc) =	sbr.abs _section_cstart, $3  }
0xc1: {  	[dreg:$0x1] =	wrdreg $0xFFFFFFFF  }
0xc2: {  	_ =	task.clear_ibuf [dreg:s7], $0x2FFFF;
	_ =	strace $0x9FFFFFFF  }
0xc3: {  	(tm) =	ssettm $0x7FFFFFFF  }
tec
execute0_lowered:
.L_overlay_start_1:
0x0: {  	(tag) =	ssettag $0x1  }
0x1: {  	s9 =	rddreg [dreg:$0x0]  }
0x2: {  	s2 =	rddreg [dreg:$0x1]  }
0x3: {  	s3 =	rddreg [dreg:$0x2]  }
0x4: {  	s0 =	rddreg [dreg:$0x3]  }
0x5: {  	s5 =	srdreg.scid;
	s1 =	stileid.u32;
	s4 =	simm.s32 $0x0  }
0x6: {  	s15 =	simm.s32 $0x50;
	s16 =	simm.s32 $0xA0;
	s17 =	simm.s32 $0x28A0  }
0x7: {  	s18 =	simm.s32 $0x1;
	s19 =	simm.s32 $0x2;
	s20 =	simm.s32 $0x50A0  }
0x8: {  	s10 =	sand.u32 $0x1, s5;
	s11 =	smul.u32 $0x15F90, s1;
	[smem:$0x7FF] =	sst s4  }
0x9: {  	s5 =	sadd.s32 $0xAE00, s9;
	s6 =	sadd.s32 $0x1000, s9;
	s8 =	smul.u32 $0x15F900, s10  }
0xa: {  	s7 =	sadd.s32 $0x4F6C00, s9;
	s31 =	sshll.u32 s1, $0x6;
	_ =	strace $0x80000047  }
0xb: {  	s13 =	ssub.s32 $0x2, s10;
	s10 =	smul.u32 $0x7D0, s10;
	s12 =	sadd.s32 s11, s8  }
0xc: {  	s30 =	sshrl.u32 s13, $0x1;
	s14 =	sadd.s32 s11, s3;
	s12 =	sshrl.u32 s12, $0x3  }
0xd: {  	s8 =	sadd.s32 $0x14C00, s9;
	s13 =	ssub.s32 s13, s30;
	s12 =	sadd.s32 s12, s9  }
0xe: {  	s10 =	sor.u32 s1, s10;
	s9 =	sor.u32 $0x1C03, s31;
	s11 =	sadd.s32 $0x17800, s12  }
0xf: {  	v0 =	vimm.f32 $1.000000000e+00;
	s12 =	smax.u32 s13, $0x1;
	s13 =	sshrl.u32 s14, $0x3;
	s14 =	simm.s32 $0x3  }
.LBB2_1:
0x10: {  	[spmem:s13], [sflag:s9] =	dma.local [hbm:s8], $0x2BF2  }
0x11: {  	_ =	swait.ge [sflag:s14], $0x2BF2  }
0x12: {  	[sflag:s14] =	ssyncset.done $0x0  }
0x13: {  	[sflag:s14] =	ssyncadd.s32 $0xFFFFD40E  }
0x14: {  	s21 =	simm.s32 $0x0;
	[bflag:$0x0] =	sbarrier.arrive $0xFFFF  }
.LBB2_2:
0x15: {  	s22 =	sshll.u32 s21, $0x4  }
0x16: {  	s22 =	sadd.s32 s10, s22  }
0x17: {  	s23 =	smul.u32 $0xA, s22;
	_ =	sdelay $0x1  }
0x18: {  	s25 =	simm.s32 $0x0;
	s24 =	sadd.s32 s5, s23  }
0x19: {  	[tilespmem:s25], [sflag:$0x3] =	stream.linear.gather [hbm4b:s24+s25], $0x50, $0x38;
	[tilespmem:$0x1DD30] =	vst v63  }
0x1a: {  	_ =	swait.ge [sflag:s14], $0x50  }
0x1b: {  	[sflag:s14] =	ssyncset.done $0x0  }
0x1c: {  	s23 =	sadd.s32 s6, s23;
	[sflag:s14] =	ssyncadd.s32 $0xFFFFFFB0  }
0x1d: {  	[tilespmem:s15], [sflag:$0x3] =	stream.linear.gather [hbm4b:s23+s25], $0x50, $0x38;
	[tilespmem:$0x1DD30] =	vst v63  }
0x1e: {  	_ =	swait.ge [sflag:s14], $0x50  }
0x1f: {  	[sflag:s14] =	ssyncset.done $0x0  }
0x20: {  	s22 =	smul.u32 $0x500, s22;
	[sflag:s14] =	ssyncadd.s32 $0xFFFFFFB0  }
0x21: {  	[tilespmem:s16], [sflag:$0x1] =	stream.indirect.gather [hbm4b:s2+s15], $0x80, s25, s15, $0xb8;
	[tilespmem:$0x1DD30] =	vst v63  }
0x22: {  	s22 =	sadd.s32 s7, s22  }
0x23: {  	[tilespmem:s17], [sflag:$0x2] =	stream.linear.gather [hbm4b:s22+s25], $0x2800, $0x38;
	[tilespmem:$0x1DD30] =	vst v63  }
0x24: {  	_ =	swait.ge [sflag:s18], $0x2800  }
0x25: {  	[sflag:s18] =	ssyncset.done $0x0  }
0x26: {  	[sflag:s18] =	ssyncadd.s32 $0xFFFFD800  }
0x27: {  	_ =	swait.ge [sflag:s19], $0x2800  }
0x28: {  	[sflag:s19] =	ssyncset.done $0x0  }
0x29: {  	s23 =	simm.s32 $0x0;
	[sflag:s19] =	ssyncadd.s32 $0xFFFFD800  }
0x2a: {  	v1 =	vld [tilespmem:s23+$0xA0]  }
0x2b: {  	v2 =	vld [tilespmem:s23+$0x28A0];
	_ =	sdelay $0x4  }
0x2c: {  	v1 =	vadd.f32 v2, v1;
	_ =	sdelay $0x1  }
0x2d: {  	s22 =	simm.s32 $0x50E0;
	v1 =	vmax.f32 v1, $0.0e+00  }
0x2e: {  	[tilespmem:s22+$0xFFFFFFC0] =	vst v1  }
0x2f: {  	v1 =	vld [tilespmem:s23+$0xB0]  }
0x30: {  	v2 =	vld [tilespmem:s23+$0x28B0];
	_ =	sdelay $0x4  }
0x31: {  	v1 =	vadd.f32 v2, v1;
	_ =	sdelay $0x1  }
0x32: {  	v1 =	vmax.f32 v1, $0.0e+00  }
0x33: {  	[tilespmem:s22+$0xFFFFFFD0] =	vst v1  }
0x34: {  	v1 =	vld [tilespmem:s23+$0xC0]  }
0x35: {  	v2 =	vld [tilespmem:s23+$0x28C0];
	_ =	sdelay $0x4  }
0x36: {  	v1 =	vadd.f32 v2, v1;
	_ =	sdelay $0x1  }
0x37: {  	v1 =	vmax.f32 v1, $0.0e+00  }
0x38: {  	[tilespmem:s22+$0xFFFFFFE0] =	vst v1  }
0x39: {  	v1 =	vld [tilespmem:s23+$0xD0]  }
0x3a: {  	v2 =	vld [tilespmem:s23+$0x28D0];
	_ =	sdelay $0x4  }
0x3b: {  	v1 =	vadd.f32 v2, v1;
	_ =	sdelay $0x1  }
0x3c: {  	v1 =	vmax.f32 v1, $0.0e+00  }
0x3d: {  	[tilespmem:s22+$0xFFFFFFF0] =	vst v1  }
0x3e: {  	v1 =	vld [tilespmem:s23+$0xE0]  }
0x3f: {  	v2 =	vld [tilespmem:s23+$0x28E0];
	_ =	sdelay $0x4  }
0x40: {  	v1 =	vadd.f32 v2, v1;
	_ =	sdelay $0x1  }
0x41: {  	v1 =	vmax.f32 v1, $0.0e+00  }
0x42: {  	[tilespmem:s22+$0x0] =	vst v1  }
0x43: {  	v1 =	vld [tilespmem:s23+$0xF0]  }
0x44: {  	v2 =	vld [tilespmem:s23+$0x28F0];
	_ =	sdelay $0x4  }
0x45: {  	v1 =	vadd.f32 v2, v1;
	_ =	sdelay $0x1  }
0x46: {  	v1 =	vmax.f32 v1, $0.0e+00  }
0x47: {  	[tilespmem:s22+$0x10] =	vst v1  }
0x48: {  	v1 =	vld [tilespmem:s23+$0x100]  }
0x49: {  	v2 =	vld [tilespmem:s23+$0x2900];
	_ =	sdelay $0x4  }
0x4a: {  	v1 =	vadd.f32 v2, v1;
	_ =	sdelay $0x1  }
0x4b: {  	v1 =	vmax.f32 v1, $0.0e+00  }
0x4c: {  	[tilespmem:s22+$0x20] =	vst v1  }
0x4d: {  	s24 =	simm.s32 $0x50E0;
	s25 =	simm.s32 $0x200;
	v1 =	vld [tilespmem:s23+$0x110]  }
.LBB2_3:
0x4e: {  	p0 =	sne.s32 s25, $0x9E00  }
0x4f: {  	v2 =	vld [tilespmem:s23+$0x2910];
	s22 =	sadd.s32 $0x90, s22;
	s23 =	smov.u32 s25;
	s25 =	sadd.s32 $0x200, s25  }
0x50: {  	[tilespmem:s24+$0x40] =	vst v0;
	_ =	sdelay $0x3  }
0x51: {  	v1 =	vadd.f32 v2, v1;
	_ =	sdelay $0x1  }
0x52: {  	v1 =	vmax.f32 v1, $0.0e+00  }
0x53: {  	s23 =	sshra.s32 s23, $0x2;
	[tilespmem:s24+$0x30] =	vst v1;
	s24 =	smov.u32 s22  }
0x54: {  	v1 =	vld [tilespmem:s23+$0xA0]  }
0x55: {  	v2 =	vld [tilespmem:s23+$0x28A0];
	_ =	sdelay $0x4  }
0x56: {  	v1 =	vadd.f32 v2, v1;
	_ =	sdelay $0x1  }
0x57: {  	v1 =	vmax.f32 v1, $0.0e+00  }
0x58: {  	[tilespmem:s22+$0xFFFFFFC0] =	vst v1  }
0x59: {  	v1 =	vld [tilespmem:s23+$0xB0]  }
0x5a: {  	v2 =	vld [tilespmem:s23+$0x28B0];
	_ =	sdelay $0x4  }
0x5b: {  	v1 =	vadd.f32 v2, v1;
	_ =	sdelay $0x1  }
0x5c: {  	v1 =	vmax.f32 v1, $0.0e+00  }
0x5d: {  	[tilespmem:s22+$0xFFFFFFD0] =	vst v1  }
0x5e: {  	v1 =	vld [tilespmem:s23+$0xC0]  }
0x5f: {  	v2 =	vld [tilespmem:s23+$0x28C0];
	_ =	sdelay $0x4  }
0x60: {  	v1 =	vadd.f32 v2, v1;
	_ =	sdelay $0x1  }
0x61: {  	v1 =	vmax.f32 v1, $0.0e+00  }
0x62: {  	[tilespmem:s22+$0xFFFFFFE0] =	vst v1  }
0x63: {  	v1 =	vld [tilespmem:s23+$0xD0]  }
0x64: {  	v2 =	vld [tilespmem:s23+$0x28D0];
	_ =	sdelay $0x4  }
0x65: {  	v1 =	vadd.f32 v2, v1;
	_ =	sdelay $0x1  }
0x66: {  	v1 =	vmax.f32 v1, $0.0e+00  }
0x67: {  	[tilespmem:s22+$0xFFFFFFF0] =	vst v1  }
0x68: {  	v1 =	vld [tilespmem:s23+$0xE0]  }
0x69: {  	v2 =	vld [tilespmem:s23+$0x28E0];
	_ =	sdelay $0x4  }
0x6a: {  	v1 =	vadd.f32 v2, v1;
	_ =	sdelay $0x1  }
0x6b: {  	v1 =	vmax.f32 v1, $0.0e+00  }
0x6c: {  	[tilespmem:s22+$0x0] =	vst v1  }
0x6d: {  	v1 =	vld [tilespmem:s23+$0xF0]  }
0x6e: {  	v2 =	vld [tilespmem:s23+$0x28F0];
	_ =	sdelay $0x4  }
0x6f: {  	v1 =	vadd.f32 v2, v1;
	_ =	sdelay $0x1  }
0x70: {  	v1 =	vmax.f32 v1, $0.0e+00  }
0x71: {  	[tilespmem:s22+$0x10] =	vst v1  }
0x72: {  	v1 =	vld [tilespmem:s23+$0x100]  }
0x73: {  	v2 =	vld [tilespmem:s23+$0x2900];
	_ =	sdelay $0x4  }
.Ltmp0:
0x74: {  	v1 =	vadd.f32 v2, v1;
	(pc) =	sbr.rel @p0 .LBB2_3-.Ltmp0, $4  }
0x75: {  	_ = 	snop  }
0x76: {  	v1 =	vmax.f32 v1, $0.0e+00  }
0x77: {  	[tilespmem:s22+$0x20] =	vst v1  }
0x78: {  	v1 =	vld [tilespmem:s23+$0x110]  }
0x79: {  	v2 =	vld [tilespmem:s23+$0x2910];
	_ =	sdelay $0x4  }
0x7a: {  	v1 =	vadd.f32 v2, v1  }
0x7b: {  	s21 =	sadd.s32 $0x1, s21  }
0x7c: {  	[tilespmem:s24+$0x40] =	vst v0;
	p0 =	sne.s32 s21, $0x7D;
	v1 =	vmax.f32 v1, $0.0e+00  }
.Ltmp1:
0x7d: {  	[tilespmem:s24+$0x30] =	vst v1;
	(pc) =	sbr.rel @p0 .LBB2_2-.Ltmp1, $4  }
0x7e: {  	[spmem:s3] =	stream.indirect.scatter.add.f32 [tilespmem:s20], [sflag:$0x3], $0x90, s15, s15, $0xb8;
	[tilespmem:$0x1DD30] =	vst v63  }
0x7f: {  	_ =	swait.ge [sflag:s14], $0x2D00  }
0x80: {  	[sflag:s14] =	ssyncset.done $0x0  }
0x81: {  	[sflag:s14] =	ssyncadd.s32 $0xFFFFD300  }
0x82: {  	s4 =	sadd.s32 $0x1, s4  }
0x83: {  	p0 =	sne.s32 s4, s12  }
.Ltmp2:
0x84: {  	[bflag:$0x0] =	sbarrier.arrive $0xFFFF;
	(pc) =	sbr.rel @p0 .LBB2_1-.Ltmp2, $4  }
0x85: {  	[hbm:s11], [sflag:s9] =	dma.local [spmem:s13], $0x2BF2  }
0x86: {  	_ =	swait.ge [sflag:s14], $0x2BF2  }
0x87: {  	[sflag:s14] =	ssyncset.done $0x0  }
0x88: {  	[sflag:s14] =	ssyncadd.s32 $0xFFFFD40E  }
0x89: {  	_ =	sfence.sel $0x180000  }
0x8a: {  	[bflag:$0x0] =	sbarrier.arrive $0xFFFF  }
0x8b: {  	p0 =	sne.s32 s1, $0x0;
	_ =	strace $0x90000047  }
0x8c: {  	s0 =	sadd.s32 @!p0 $0x100000, s0;
	[bflag:$0x2] =	sbarrier.arrive $0xFFFF  }
0x8d: {  	[sflag:s0] =	ssyncadd.tile.s32 @!p0 $0x1;
	_ =	shalt  }
.Lfunc_end2:
_tile_overlayer_lowered:
.L_overlay_start_2:
0x8e: {  	(tag) =	ssettag $0x2  }
0x8f: {  	s0 =	rddreg [dreg:$0x0];
	s2 =	stileid.u32  }
0x90: {  	s1 =	rddreg [dreg:$0x1];
	p0 =	sne.s32 s2, $0x0  }
0x91: {  	s3 =	rddreg [dreg:$0x2];
	[bflag:$0x3] =	sbarrier.arrive $0xFFFF;
	s2 =	simm.s32 @!p0 $0x1C03  }
0x92: {  	[timem:s3], [sflag:s2] =	dma.local @!p0 [hbm:s0], s1  }
0x93: {  	s0 =	simm.s32 @!p0 $0x3  }
0x94: {  	_ =	swait.ge @!p0 [sflag:s0], s1  }
0x95: {  	s1 =	ssub.s32 @!p0 $0x0, s1;
	[sflag:s0] =	ssyncset.done @!p0 $0x0  }
0x96: {  	[sflag:s0] =	ssyncadd.s32 @!p0 s1  }
0x97: {  	[bflag:$0x3] =	sbarrier.arrive $0xFFFF  }
0x98: {  	_ =	shalt  }

</sc_bundles>
